<compile_context>
chip_gen: v7x
topology: tpu7x:2x2x1
jax: 0.10.2.dev20260603
libtpu: 0.0.44.dev20260713+nightly
codegen_flags: <defaults>
</compile_context>

<pallas_src>
import functools

import jax
import jax.numpy as jnp
from jax import lax
from jax.experimental import pallas as pl
from jax.experimental.pallas import tpu as pltpu
from jax.experimental.pallas import tpu_sc as plsc

BATCH = 128
OUT_F = 4096
IN_F = 8192

ROW_BLOCK = 256
GRID = OUT_F // ROW_BLOCK
XCOL_BLOCK = IN_F // GRID
LANE = 128
N_CHUNK = IN_F // LANE


def _argmax_t_body(w_ref, x_ref, idx_ref, xt_ref):
    w = w_ref[...]
    m = w[:, 0:LANE]
    bc = jnp.zeros((ROW_BLOCK, LANE), jnp.int32)
    for c in range(1, N_CHUNK):
        wc = w[:, c * LANE:(c + 1) * LANE]
        gt = wc > m
        m = jnp.where(gt, wc, m)
        bc = jnp.where(gt, c, bc)
    full = bc * LANE + lax.broadcasted_iota(jnp.int32, (ROW_BLOCK, LANE), 1)
    mrow = jnp.max(m, axis=1, keepdims=True)
    idx_ref[...] = jnp.min(jnp.where(m == mrow, full, IN_F), axis=1)
    xt_ref[...] = x_ref[...].T


def _row_argmax_and_xt(raw_weight, x):
    return pl.pallas_call(
        _argmax_t_body,
        grid=(GRID,),
        in_specs=[
            pl.BlockSpec((ROW_BLOCK, IN_F), lambda i: (i, 0)),
            pl.BlockSpec((BATCH, XCOL_BLOCK), lambda i: (0, i)),
        ],
        out_specs=[
            pl.BlockSpec((ROW_BLOCK,), lambda i: (i,)),
            pl.BlockSpec((XCOL_BLOCK, BATCH), lambda i: (i, 0)),
        ],
        out_shape=[
            jax.ShapeDtypeStruct((OUT_F,), jnp.int32),
            jax.ShapeDtypeStruct((IN_F, BATCH), jnp.float32),
        ],
    )(raw_weight, x)


_SC_INFO = plsc.get_sparse_core_info()
_NW = _SC_INFO.num_cores * _SC_INFO.num_subcores
_B_PER_W = OUT_F // _NW


_HB = _B_PER_W // 2


@functools.partial(
    pl.kernel,
    mesh=plsc.VectorSubcoreMesh(core_axis_name="c", subcore_axis_name="s"),
    out_type=jax.ShapeDtypeStruct((OUT_F, BATCH), jnp.float32),
    scratch_types=[
        pltpu.VMEM((_HB,), jnp.int32),
        pltpu.VMEM((_HB,), jnp.int32),
        pltpu.VMEM((_HB, BATCH), jnp.float32),
        pltpu.VMEM((_HB, BATCH), jnp.float32),
        pltpu.SemaphoreType.DMA,
        pltpu.SemaphoreType.DMA,
        pltpu.SemaphoreType.DMA,
    ],
)
def _sc_gather(xt_hbm, idx_hbm, out_hbm, idx_a, idx_b, rows_a, rows_b,
               sem_a, sem_b, sem_w):
    wid = lax.axis_index("s") * _SC_INFO.num_cores + lax.axis_index("c")
    base = wid * _B_PER_W
    pltpu.sync_copy(idx_hbm.at[pl.ds(base, _HB)], idx_a)
    ga = pltpu.async_copy(xt_hbm.at[idx_a], rows_a, sem_a)
    pltpu.sync_copy(idx_hbm.at[pl.ds(base + _HB, _HB)], idx_b)
    gb = pltpu.async_copy(xt_hbm.at[idx_b], rows_b, sem_b)
    ga.wait()
    wa = pltpu.async_copy(rows_a, out_hbm.at[pl.ds(base, _HB)], sem_w)
    gb.wait()
    pltpu.sync_copy(rows_b, out_hbm.at[pl.ds(base + _HB, _HB)])
    wa.wait()


def kernel(x, raw_weight):
    idx, xt = _row_argmax_and_xt(raw_weight, x)
    out_t = _sc_gather(xt, idx)
    return out_t.T

# --- scband reference (transcript-rebuilt; emitter-appended) ---
"""Pipeline reference for scband-digital-mapper-v2-3-60541859004553 (READ-ONLY COPY).

The authoritative reference and input builder live on the scoring server;
editing this copy changes nothing except your own understanding.
"""

import jax, jax.numpy as jnp
import numpy as np


def setup_inputs(seed: int = 0) -> dict:
    key = jax.random.key(seed)
    k1, k2 = jax.random.split(key)
    x = jax.random.normal(k1, (128, 8192), dtype=jnp.float32)
    # raw_weight initialized with the plain rand01 style (torch.rand_like)
    raw_weight = jax.random.uniform(k2, (4096, 8192), dtype=jnp.float32)
    return {"x": x, "raw_weight": raw_weight}


def reference(x, raw_weight):
    # DigitalMapperFunction_v2_3.forward:
    # index_of_max_o = raw_weight.max(dim=1).indices
    # output = x[:, index_of_max_o]
    index_of_max_o = jnp.argmax(raw_weight, axis=1)  # [out_features]
    output = jnp.take(x, index_of_max_o, axis=1)     # [batch, out_features]
    return output

if __name__ == "__main__":
    import jax
    _d = setup_inputs()
    print(jax.jit(kernel)(*tuple(_d.values())))

</pallas_src>

<mosaic_0001>
#map = affine_map<(d0, d1) -> (0, 0)>
#map1 = affine_map<(d0, d1) -> (0)>
module attributes {stable_mosaic.version = 14 : i64} {
  func.func @_sc_gather(%arg0: i32, %arg1: i32, %arg2: memref<8192x128xf32, #tpu.memory_space<hbm>>, %arg3: memref<4096xi32, #tpu.memory_space<hbm>>, %arg4: memref<4096x128xf32, #tpu.memory_space<hbm>>, %arg5: memref<64xi32, #tpu.memory_space<vmem>>, %arg6: memref<64xi32, #tpu.memory_space<vmem>>, %arg7: memref<64x128xf32, #tpu.memory_space<vmem>>, %arg8: memref<64x128xf32, #tpu.memory_space<vmem>>, %arg9: memref<!tpu.dma_semaphore, #tpu.memory_space<semaphore_mem>>, %arg10: memref<!tpu.dma_semaphore, #tpu.memory_space<semaphore_mem>>, %arg11: memref<!tpu.dma_semaphore, #tpu.memory_space<semaphore_mem>>) attributes {dimension_semantics = [#tpu.dimension_semantics<core_parallel>, #tpu.dimension_semantics<subcore_parallel>], iteration_bounds = array<i64: 2, 16>, scalar_prefetch = 0 : i64, scratch_operands = 7 : i64, tpu.core_type = #tpu.core_type<sc_vector_subcore>, window_params = [{transform_indices = #map}, {transform_indices = #map1}, {transform_indices = #map}]} {
    %mul3A = arith.constant 2 : i32
    %mul3A_0 = arith.muli %arg1, %mul3A : i32
    %add3A = arith.addi %mul3A_0, %arg0 : i32
    %mul3A_1 = arith.constant 128 : i32
    %mul3A_2 = arith.muli %add3A, %mul3A_1 : i32
    "tpu.region"() ({
      %run_scoped3A = tpu.sem_alloc : memref<!tpu.dma_semaphore, #tpu.memory_space<semaphore_mem>>
      %dma_start3A_25 = tpu.memref_slice %arg3[%mul3A_2] : memref<4096xi32, #tpu.memory_space<hbm>> -> memref<64xi32, #tpu.memory_space<hbm>>
      %dma_start3A_26 = tpu.memref_slice %arg3[%mul3A_2] : memref<4096xi32, #tpu.memory_space<hbm>> -> memref<64xi32, #tpu.memory_space<hbm>>
      tpu.enqueue_dma source(%dma_start3A_26 : memref<64xi32, #tpu.memory_space<hbm>>) target(%arg5 : memref<64xi32, #tpu.memory_space<vmem>>) target_semaphore(%run_scoped3A : memref<!tpu.dma_semaphore, #tpu.memory_space<semaphore_mem>>)
      %dma_wait3A_27 = tpu.memref_slice %arg3[%mul3A_2] : memref<4096xi32, #tpu.memory_space<hbm>> -> memref<64xi32, #tpu.memory_space<hbm>>
      %dma_wait3A_28 = tpu.memref_slice %arg3[%mul3A_2] : memref<4096xi32, #tpu.memory_space<hbm>> -> memref<64xi32, #tpu.memory_space<hbm>>
      tpu.wait_dma2 semaphore(%run_scoped3A : memref<!tpu.dma_semaphore, #tpu.memory_space<semaphore_mem>>) src(%dma_wait3A_28 : memref<64xi32, #tpu.memory_space<hbm>>) dst(%arg5 : memref<64xi32, #tpu.memory_space<vmem>>)
      tpu.yield
    }) : () -> ()
    %dma_start3A = arith.constant 0 : i32
    %dma_start3A_3 = arith.constant 0 : i32
    %dma_start3A_4 = tpu.memref_slice %arg2[%dma_start3A, %dma_start3A_3] : memref<8192x128xf32, #tpu.memory_space<hbm>> -> memref<8192x128xf32, #tpu.memory_space<hbm>>
    tpu.enqueue_indirect_dma source(%dma_start3A_4 : memref<8192x128xf32, #tpu.memory_space<hbm>>) target(%arg7 : memref<64x128xf32, #tpu.memory_space<vmem>>) offsets(%arg5 : memref<64xi32, #tpu.memory_space<vmem>>) semaphore(%arg9 : memref<!tpu.dma_semaphore, #tpu.memory_space<semaphore_mem>>)
    %add3A_5 = arith.constant 64 : i32
    %add3A_6 = arith.addi %mul3A_2, %add3A_5 : i32
    "tpu.region"() ({
      %run_scoped3A = tpu.sem_alloc : memref<!tpu.dma_semaphore, #tpu.memory_space<semaphore_mem>>
      %dma_start3A_25 = tpu.memref_slice %arg3[%add3A_6] : memref<4096xi32, #tpu.memory_space<hbm>> -> memref<64xi32, #tpu.memory_space<hbm>>
      %dma_start3A_26 = tpu.memref_slice %arg3[%add3A_6] : memref<4096xi32, #tpu.memory_space<hbm>> -> memref<64xi32, #tpu.memory_space<hbm>>
      tpu.enqueue_dma source(%dma_start3A_26 : memref<64xi32, #tpu.memory_space<hbm>>) target(%arg6 : memref<64xi32, #tpu.memory_space<vmem>>) target_semaphore(%run_scoped3A : memref<!tpu.dma_semaphore, #tpu.memory_space<semaphore_mem>>)
      %dma_wait3A_27 = tpu.memref_slice %arg3[%add3A_6] : memref<4096xi32, #tpu.memory_space<hbm>> -> memref<64xi32, #tpu.memory_space<hbm>>
      %dma_wait3A_28 = tpu.memref_slice %arg3[%add3A_6] : memref<4096xi32, #tpu.memory_space<hbm>> -> memref<64xi32, #tpu.memory_space<hbm>>
      tpu.wait_dma2 semaphore(%run_scoped3A : memref<!tpu.dma_semaphore, #tpu.memory_space<semaphore_mem>>) src(%dma_wait3A_28 : memref<64xi32, #tpu.memory_space<hbm>>) dst(%arg6 : memref<64xi32, #tpu.memory_space<vmem>>)
      tpu.yield
    }) : () -> ()
    %dma_start3A_7 = arith.constant 0 : i32
    %dma_start3A_8 = arith.constant 0 : i32
    %dma_start3A_9 = tpu.memref_slice %arg2[%dma_start3A_7, %dma_start3A_8] : memref<8192x128xf32, #tpu.memory_space<hbm>> -> memref<8192x128xf32, #tpu.memory_space<hbm>>
    tpu.enqueue_indirect_dma source(%dma_start3A_9 : memref<8192x128xf32, #tpu.memory_space<hbm>>) target(%arg8 : memref<64x128xf32, #tpu.memory_space<vmem>>) offsets(%arg6 : memref<64xi32, #tpu.memory_space<vmem>>) semaphore(%arg10 : memref<!tpu.dma_semaphore, #tpu.memory_space<semaphore_mem>>)
    %dma_wait3A = arith.constant 0 : i32
    %dma_wait3A_10 = arith.constant 0 : i32
    %dma_wait3A_11 = tpu.memref_slice %arg2[%dma_wait3A, %dma_wait3A_10] : memref<8192x128xf32, #tpu.memory_space<hbm>> -> memref<8192x128xf32, #tpu.memory_space<hbm>>
    tpu.wait_indirect_dma semaphore(%arg9 : memref<!tpu.dma_semaphore, #tpu.memory_space<semaphore_mem>>) src(%dma_wait3A_11 : memref<8192x128xf32, #tpu.memory_space<hbm>>) dst(%arg7 : memref<64x128xf32, #tpu.memory_space<vmem>>)
    %dma_start3A_12 = arith.constant 0 : i32
    %dma_start3A_13 = tpu.memref_slice %arg4[%mul3A_2, %dma_start3A_12] : memref<4096x128xf32, #tpu.memory_space<hbm>> -> memref<64x128xf32, #tpu.memory_space<hbm>>
    %dma_start3A_14 = arith.constant 0 : i32
    %dma_start3A_15 = tpu.memref_slice %arg4[%mul3A_2, %dma_start3A_14] : memref<4096x128xf32, #tpu.memory_space<hbm>> -> memref<64x128xf32, #tpu.memory_space<hbm>>
    tpu.enqueue_dma source(%arg7 : memref<64x128xf32, #tpu.memory_space<vmem>>) target(%dma_start3A_15 : memref<64x128xf32, #tpu.memory_space<hbm>>) target_semaphore(%arg11 : memref<!tpu.dma_semaphore, #tpu.memory_space<semaphore_mem>>)
    %dma_wait3A_16 = arith.constant 0 : i32
    %dma_wait3A_17 = arith.constant 0 : i32
    %dma_wait3A_18 = tpu.memref_slice %arg2[%dma_wait3A_16, %dma_wait3A_17] : memref<8192x128xf32, #tpu.memory_space<hbm>> -> memref<8192x128xf32, #tpu.memory_space<hbm>>
    tpu.wait_indirect_dma semaphore(%arg10 : memref<!tpu.dma_semaphore, #tpu.memory_space<semaphore_mem>>) src(%dma_wait3A_18 : memref<8192x128xf32, #tpu.memory_space<hbm>>) dst(%arg8 : memref<64x128xf32, #tpu.memory_space<vmem>>)
    %add3A_19 = arith.constant 64 : i32
    %add3A_20 = arith.addi %mul3A_2, %add3A_19 : i32
    "tpu.region"() ({
      %run_scoped3A = tpu.sem_alloc : memref<!tpu.dma_semaphore, #tpu.memory_space<semaphore_mem>>
      %dma_start3A_25 = arith.constant 0 : i32
      %dma_start3A_26 = tpu.memref_slice %arg4[%add3A_20, %dma_start3A_25] : memref<4096x128xf32, #tpu.memory_space<hbm>> -> memref<64x128xf32, #tpu.memory_space<hbm>>
      %dma_start3A_27 = arith.constant 0 : i32
      %dma_start3A_28 = tpu.memref_slice %arg4[%add3A_20, %dma_start3A_27] : memref<4096x128xf32, #tpu.memory_space<hbm>> -> memref<64x128xf32, #tpu.memory_space<hbm>>
      tpu.enqueue_dma source(%arg8 : memref<64x128xf32, #tpu.memory_space<vmem>>) target(%dma_start3A_28 : memref<64x128xf32, #tpu.memory_space<hbm>>) target_semaphore(%run_scoped3A : memref<!tpu.dma_semaphore, #tpu.memory_space<semaphore_mem>>)
      %dma_wait3A_29 = arith.constant 0 : i32
      %dma_wait3A_30 = tpu.memref_slice %arg4[%add3A_20, %dma_wait3A_29] : memref<4096x128xf32, #tpu.memory_space<hbm>> -> memref<64x128xf32, #tpu.memory_space<hbm>>
      %dma_wait3A_31 = arith.constant 0 : i32
      %dma_wait3A_32 = tpu.memref_slice %arg4[%add3A_20, %dma_wait3A_31] : memref<4096x128xf32, #tpu.memory_space<hbm>> -> memref<64x128xf32, #tpu.memory_space<hbm>>
      tpu.wait_dma2 semaphore(%run_scoped3A : memref<!tpu.dma_semaphore, #tpu.memory_space<semaphore_mem>>) src(%arg8 : memref<64x128xf32, #tpu.memory_space<vmem>>) dst(%dma_wait3A_32 : memref<64x128xf32, #tpu.memory_space<hbm>>)
      tpu.yield
    }) : () -> ()
    %dma_wait3A_21 = arith.constant 0 : i32
    %dma_wait3A_22 = tpu.memref_slice %arg4[%mul3A_2, %dma_wait3A_21] : memref<4096x128xf32, #tpu.memory_space<hbm>> -> memref<64x128xf32, #tpu.memory_space<hbm>>
    %dma_wait3A_23 = arith.constant 0 : i32
    %dma_wait3A_24 = tpu.memref_slice %arg4[%mul3A_2, %dma_wait3A_23] : memref<4096x128xf32, #tpu.memory_space<hbm>> -> memref<64x128xf32, #tpu.memory_space<hbm>>
    tpu.wait_dma2 semaphore(%arg11 : memref<!tpu.dma_semaphore, #tpu.memory_space<semaphore_mem>>) src(%arg7 : memref<64x128xf32, #tpu.memory_space<vmem>>) dst(%dma_wait3A_24 : memref<64x128xf32, #tpu.memory_space<hbm>>)
    return
  }
}

module attributes {stable_mosaic.version = 14 : i64} {
  func.func @_argmax_t_body(%arg0: i32, %arg1: memref<256x8192xf32, #tpu.memory_space<vmem>>, %arg2: memref<128x512xf32, #tpu.memory_space<vmem>>, %arg3: memref<256xi32, #tpu.memory_space<vmem>>, %arg4: memref<512x128xf32, #tpu.memory_space<vmem>>) attributes {dimension_semantics = [#tpu.dimension_semantics<arbitrary>], iteration_bounds = array<i64: 16>, scalar_prefetch = 0 : i64, scratch_operands = 0 : i64, tpu.core_type = #tpu.core_type<tc>, window_params = [{transform_indices = @transform_0, window_bounds = array<i64: 256, 8192>}, {transform_indices = @transform_1, window_bounds = array<i64: 128, 512>}, {transform_indices = @transform_2, window_bounds = array<i64: 256>}, {transform_indices = @transform_3, window_bounds = array<i64: 512, 128>}]} {
    %get3A = arith.constant 0 : index
    %get3A_0 = arith.constant 0 : index
    %get3A_1 = vector.load %arg1[%get3A, %get3A_0] : memref<256x8192xf32, #tpu.memory_space<vmem>>, vector<256x8192xf32>
    %slice3A = vector.extract_strided_slice %get3A_1 {offsets = [0, 0], sizes = [256, 128], strides = [1, 1]} : vector<256x8192xf32> to vector<256x128xf32>
    %broadcast_in_dim3A = arith.constant 0 : i32
    %broadcast_in_dim3A_2 = vector.broadcast %broadcast_in_dim3A : i32 to vector<256x128xi32>
    %slice3A_3 = vector.extract_strided_slice %get3A_1 {offsets = [0, 128], sizes = [256, 128], strides = [1, 1]} : vector<256x8192xf32> to vector<256x128xf32>
    %gt3A = arith.cmpf ogt, %slice3A_3, %slice3A : vector<256x128xf32>
    %select_n3A = arith.select %gt3A, %slice3A_3, %slice3A : vector<256x128xi1>, vector<256x128xf32>
    %jit3A = arith.constant 1 : i32
    %broadcast_in_dim3A_4 = vector.broadcast %jit3A : i32 to vector<256x128xi32>
    %select_n3A_5 = arith.select %gt3A, %broadcast_in_dim3A_4, %broadcast_in_dim3A_2 : vector<256x128xi1>, vector<256x128xi32>
    %slice3A_6 = vector.extract_strided_slice %get3A_1 {offsets = [0, 256], sizes = [256, 128], strides = [1, 1]} : vector<256x8192xf32> to vector<256x128xf32>
    %gt3A_7 = arith.cmpf ogt, %slice3A_6, %select_n3A : vector<256x128xf32>
    %select_n3A_8 = arith.select %gt3A_7, %slice3A_6, %select_n3A : vector<256x128xi1>, vector<256x128xf32>
    %jit3A_9 = arith.constant 2 : i32
    %broadcast_in_dim3A_10 = vector.broadcast %jit3A_9 : i32 to vector<256x128xi32>
    %select_n3A_11 = arith.select %gt3A_7, %broadcast_in_dim3A_10, %select_n3A_5 : vector<256x128xi1>, vector<256x128xi32>
    %slice3A_12 = vector.extract_strided_slice %get3A_1 {offsets = [0, 384], sizes = [256, 128], strides = [1, 1]} : vector<256x8192xf32> to vector<256x128xf32>
    %gt3A_13 = arith.cmpf ogt, %slice3A_12, %select_n3A_8 : vector<256x128xf32>
    %select_n3A_14 = arith.select %gt3A_13, %slice3A_12, %select_n3A_8 : vector<256x128xi1>, vector<256x128xf32>
    %jit3A_15 = arith.constant 3 : i32
    %broadcast_in_dim3A_16 = vector.broadcast %jit3A_15 : i32 to vector<256x128xi32>
    %select_n3A_17 = arith.select %gt3A_13, %broadcast_in_dim3A_16, %select_n3A_11 : vector<256x128xi1>, vector<256x128xi32>
    %slice3A_18 = vector.extract_strided_slice %get3A_1 {offsets = [0, 512], sizes = [256, 128], strides = [1, 1]} : vector<256x8192xf32> to vector<256x128xf32>
    %gt3A_19 = arith.cmpf ogt, %slice3A_18, %select_n3A_14 : vector<256x128xf32>
    %select_n3A_20 = arith.select %gt3A_19, %slice3A_18, %select_n3A_14 : vector<256x128xi1>, vector<256x128xf32>
    %jit3A_21 = arith.constant 4 : i32
    %broadcast_in_dim3A_22 = vector.broadcast %jit3A_21 : i32 to vector<256x128xi32>
    %select_n3A_23 = arith.select %gt3A_19, %broadcast_in_dim3A_22, %select_n3A_17 : vector<256x128xi1>, vector<256x128xi32>
    %slice3A_24 = vector.extract_strided_slice %get3A_1 {offsets = [0, 640], sizes = [256, 128], strides = [1, 1]} : vector<256x8192xf32> to vector<256x128xf32>
    %gt3A_25 = arith.cmpf ogt, %slice3A_24, %select_n3A_20 : vector<256x128xf32>
    %select_n3A_26 = arith.select %gt3A_25, %slice3A_24, %select_n3A_20 : vector<256x128xi1>, vector<256x128xf32>
    %jit3A_27 = arith.constant 5 : i32
    %broadcast_in_dim3A_28 = vector.broadcast %jit3A_27 : i32 to vector<256x128xi32>
    %select_n3A_29 = arith.select %gt3A_25, %broadcast_in_dim3A_28, %select_n3A_23 : vector<256x128xi1>, vector<256x128xi32>
    %slice3A_30 = vector.extract_strided_slice %get3A_1 {offsets = [0, 768], sizes = [256, 128], strides = [1, 1]} : vector<256x8192xf32> to vector<256x128xf32>
    %gt3A_31 = arith.cmpf ogt, %slice3A_30, %select_n3A_26 : vector<256x128xf32>
    %select_n3A_32 = arith.select %gt3A_31, %slice3A_30, %select_n3A_26 : vector<256x128xi1>, vector<256x128xf32>
    %jit3A_33 = arith.constant 6 : i32
    %broadcast_in_dim3A_34 = vector.broadcast %jit3A_33 : i32 to vector<256x128xi32>
    %select_n3A_35 = arith.select %gt3A_31, %broadcast_in_dim3A_34, %select_n3A_29 : vector<256x128xi1>, vector<256x128xi32>
    %slice3A_36 = vector.extract_strided_slice %get3A_1 {offsets = [0, 896], sizes = [256, 128], strides = [1, 1]} : vector<256x8192xf32> to vector<256x128xf32>
    %gt3A_37 = arith.cmpf ogt, %slice3A_36, %select_n3A_32 : vector<256x128xf32>
    %select_n3A_38 = arith.select %gt3A_37, %slice3A_36, %select_n3A_32 : vector<256x128xi1>, vector<256x128xf32>
    %jit3A_39 = arith.constant 7 : i32
    %broadcast_in_dim3A_40 = vector.broadcast %jit3A_39 : i32 to vector<256x128xi32>
    %select_n3A_41 = arith.select %gt3A_37, %broadcast_in_dim3A_40, %select_n3A_35 : vector<256x128xi1>, vector<256x128xi32>
    %slice3A_42 = vector.extract_strided_slice %get3A_1 {offsets = [0, 1024], sizes = [256, 128], strides = [1, 1]} : vector<256x8192xf32> to vector<256x128xf32>
    %gt3A_43 = arith.cmpf ogt, %slice3A_42, %select_n3A_38 : vector<256x128xf32>
    %select_n3A_44 = arith.select %gt3A_43, %slice3A_42, %select_n3A_38 : vector<256x128xi1>, vector<256x128xf32>
    %jit3A_45 = arith.constant 8 : i32
    %broadcast_in_dim3A_46 = vector.broadcast %jit3A_45 : i32 to vector<256x128xi32>
    %select_n3A_47 = arith.select %gt3A_43, %broadcast_in_dim3A_46, %select_n3A_41 : vector<256x128xi1>, vector<256x128xi32>
    %slice3A_48 = vector.extract_strided_slice %get3A_1 {offsets = [0, 1152], sizes = [256, 128], strides = [1, 1]} : vector<256x8192xf32> to vector<256x128xf32>
    %gt3A_49 = arith.cmpf ogt, %slice3A_48, %select_n3A_44 : vector<256x128xf32>
    %select_n3A_50 = arith.select %gt3A_49, %slice3A_48, %select_n3A_44 : vector<256x128xi1>, vector<256x128xf32>
    %jit3A_51 = arith.constant 9 : i32
    %broadcast_in_dim3A_52 = vector.broadcast %jit3A_51 : i32 to vector<256x128xi32>
    %select_n3A_53 = arith.select %gt3A_49, %broadcast_in_dim3A_52, %select_n3A_47 : vector<256x128xi1>, vector<256x128xi32>
    %slice3A_54 = vector.extract_strided_slice %get3A_1 {offsets = [0, 1280], sizes = [256, 128], strides = [1, 1]} : vector<256x8192xf32> to vector<256x128xf32>
    %gt3A_55 = arith.cmpf ogt, %slice3A_54, %select_n3A_50 : vector<256x128xf32>
    %select_n3A_56 = arith.select %gt3A_55, %slice3A_54, %select_n3A_50 : vector<256x128xi1>, vector<256x128xf32>
    %jit3A_57 = arith.constant 10 : i32
    %broadcast_in_dim3A_58 = vector.broadcast %jit3A_57 : i32 to vector<256x128xi32>
    %select_n3A_59 = arith.select %gt3A_55, %broadcast_in_dim3A_58, %select_n3A_53 : vector<256x128xi1>, vector<256x128xi32>
    %slice3A_60 = vector.extract_strided_slice %get3A_1 {offsets = [0, 1408], sizes = [256, 128], strides = [1, 1]} : vector<256x8192xf32> to vector<256x128xf32>
    %gt3A_61 = arith.cmpf ogt, %slice3A_60, %select_n3A_56 : vector<256x128xf32>
    %select_n3A_62 = arith.select %gt3A_61, %slice3A_60, %select_n3A_56 : vector<256x128xi1>, vector<256x128xf32>
    %jit3A_63 = arith.constant 11 : i32
    %broadcast_in_dim3A_64 = vector.broadcast %jit3A_63 : i32 to vector<256x128xi32>
    %select_n3A_65 = arith.select %gt3A_61, %broadcast_in_dim3A_64, %select_n3A_59 : vector<256x128xi1>, vector<256x128xi32>
    %slice3A_66 = vector.extract_strided_slice %get3A_1 {offsets = [0, 1536], sizes = [256, 128], strides = [1, 1]} : vector<256x8192xf32> to vector<256x128xf32>
    %gt3A_67 = arith.cmpf ogt, %slice3A_66, %select_n3A_62 : vector<256x128xf32>
    %select_n3A_68 = arith.select %gt3A_67, %slice3A_66, %select_n3A_62 : vector<256x128xi1>, vector<256x128xf32>
    %jit3A_69 = arith.constant 12 : i32
    %broadcast_in_dim3A_70 = vector.broadcast %jit3A_69 : i32 to vector<256x128xi32>
    %select_n3A_71 = arith.select %gt3A_67, %broadcast_in_dim3A_70, %select_n3A_65 : vector<256x128xi1>, vector<256x128xi32>
    %slice3A_72 = vector.extract_strided_slice %get3A_1 {offsets = [0, 1664], sizes = [256, 128], strides = [1, 1]} : vector<256x8192xf32> to vector<256x128xf32>
    %gt3A_73 = arith.cmpf ogt, %slice3A_72, %select_n3A_68 : vector<256x128xf32>
    %select_n3A_74 = arith.select %gt3A_73, %slice3A_72, %select_n3A_68 : vector<256x128xi1>, vector<256x128xf32>
    %jit3A_75 = arith.constant 13 : i32
    %broadcast_in_dim3A_76 = vector.broadcast %jit3A_75 : i32 to vector<256x128xi32>
    %select_n3A_77 = arith.select %gt3A_73, %broadcast_in_dim3A_76, %select_n3A_71 : vector<256x128xi1>, vector<256x128xi32>
    %slice3A_78 = vector.extract_strided_slice %get3A_1 {offsets = [0, 1792], sizes = [256, 128], strides = [1, 1]} : vector<256x8192xf32> to vector<256x128xf32>
    %gt3A_79 = arith.cmpf ogt, %slice3A_78, %select_n3A_74 : vector<256x128xf32>
    %select_n3A_80 = arith.select %gt3A_79, %slice3A_78, %select_n3A_74 : vector<256x128xi1>, vector<256x128xf32>
    %jit3A_81 = arith.constant 14 : i32
    %broadcast_in_dim3A_82 = vector.broadcast %jit3A_81 : i32 to vector<256x128xi32>
    %select_n3A_83 = arith.select %gt3A_79, %broadcast_in_dim3A_82, %select_n3A_77 : vector<256x128xi1>, vector<256x128xi32>
    %slice3A_84 = vector.extract_strided_slice %get3A_1 {offsets = [0, 1920], sizes = [256, 128], strides = [1, 1]} : vector<256x8192xf32> to vector<256x128xf32>
    %gt3A_85 = arith.cmpf ogt, %slice3A_84, %select_n3A_80 : vector<256x128xf32>
    %select_n3A_86 = arith.select %gt3A_85, %slice3A_84, %select_n3A_80 : vector<256x128xi1>, vector<256x128xf32>
    %jit3A_87 = arith.constant 15 : i32
    %broadcast_in_dim3A_88 = vector.broadcast %jit3A_87 : i32 to vector<256x128xi32>
    %select_n3A_89 = arith.select %gt3A_85, %broadcast_in_dim3A_88, %select_n3A_83 : vector<256x128xi1>, vector<256x128xi32>
    %slice3A_90 = vector.extract_strided_slice %get3A_1 {offsets = [0, 2048], sizes = [256, 128], strides = [1, 1]} : vector<256x8192xf32> to vector<256x128xf32>
    %gt3A_91 = arith.cmpf ogt, %slice3A_90, %select_n3A_86 : vector<256x128xf32>
    %select_n3A_92 = arith.select %gt3A_91, %slice3A_90, %select_n3A_86 : vector<256x128xi1>, vector<256x128xf32>
    %jit3A_93 = arith.constant 16 : i32
    %broadcast_in_dim3A_94 = vector.broadcast %jit3A_93 : i32 to vector<256x128xi32>
    %select_n3A_95 = arith.select %gt3A_91, %broadcast_in_dim3A_94, %select_n3A_89 : vector<256x128xi1>, vector<256x128xi32>
    %slice3A_96 = vector.extract_strided_slice %get3A_1 {offsets = [0, 2176], sizes = [256, 128], strides = [1, 1]} : vector<256x8192xf32> to vector<256x128xf32>
    %gt3A_97 = arith.cmpf ogt, %slice3A_96, %select_n3A_92 : vector<256x128xf32>
    %select_n3A_98 = arith.select %gt3A_97, %slice3A_96, %select_n3A_92 : vector<256x128xi1>, vector<256x128xf32>
    %jit3A_99 = arith.constant 17 : i32
    %broadcast_in_dim3A_100 = vector.broadcast %jit3A_99 : i32 to vector<256x128xi32>
    %select_n3A_101 = arith.select %gt3A_97, %broadcast_in_dim3A_100, %select_n3A_95 : vector<256x128xi1>, vector<256x128xi32>
    %slice3A_102 = vector.extract_strided_slice %get3A_1 {offsets = [0, 2304], sizes = [256, 128], strides = [1, 1]} : vector<256x8192xf32> to vector<256x128xf32>
    %gt3A_103 = arith.cmpf ogt, %slice3A_102, %select_n3A_98 : vector<256x128xf32>
    %select_n3A_104 = arith.select %gt3A_103, %slice3A_102, %select_n3A_98 : vector<256x128xi1>, vector<256x128xf32>
    %jit3A_105 = arith.constant 18 : i32
    %broadcast_in_dim3A_106 = vector.broadcast %jit3A_105 : i32 to vector<256x128xi32>
    %select_n3A_107 = arith.select %gt3A_103, %broadcast_in_dim3A_106, %select_n3A_101 : vector<256x128xi1>, vector<256x128xi32>
    %slice3A_108 = vector.extract_strided_slice %get3A_1 {offsets = [0, 2432], sizes = [256, 128], strides = [1, 1]} : vector<256x8192xf32> to vector<256x128xf32>
    %gt3A_109 = arith.cmpf ogt, %slice3A_108, %select_n3A_104 : vector<256x128xf32>
    %select_n3A_110 = arith.select %gt3A_109, %slice3A_108, %select_n3A_104 : vector<256x128xi1>, vector<256x128xf32>
    %jit3A_111 = arith.constant 19 : i32
    %broadcast_in_dim3A_112 = vector.broadcast %jit3A_111 : i32 to vector<256x128xi32>
    %select_n3A_113 = arith.select %gt3A_109, %broadcast_in_dim3A_112, %select_n3A_107 : vector<256x128xi1>, vector<256x128xi32>
    %slice3A_114 = vector.extract_strided_slice %get3A_1 {offsets = [0, 2560], sizes = [256, 128], strides = [1, 1]} : vector<256x8192xf32> to vector<256x128xf32>
    %gt3A_115 = arith.cmpf ogt, %slice3A_114, %select_n3A_110 : vector<256x128xf32>
    %select_n3A_116 = arith.select %gt3A_115, %slice3A_114, %select_n3A_110 : vector<256x128xi1>, vector<256x128xf32>
    %jit3A_117 = arith.constant 20 : i32
    %broadcast_in_dim3A_118 = vector.broadcast %jit3A_117 : i32 to vector<256x128xi32>
    %select_n3A_119 = arith.select %gt3A_115, %broadcast_in_dim3A_118, %select_n3A_113 : vector<256x128xi1>, vector<256x128xi32>
    %slice3A_120 = vector.extract_strided_slice %get3A_1 {offsets = [0, 2688], sizes = [256, 128], strides = [1, 1]} : vector<256x8192xf32> to vector<256x128xf32>
    %gt3A_121 = arith.cmpf ogt, %slice3A_120, %select_n3A_116 : vector<256x128xf32>
    %select_n3A_122 = arith.select %gt3A_121, %slice3A_120, %select_n3A_116 : vector<256x128xi1>, vector<256x128xf32>
    %jit3A_123 = arith.constant 21 : i32
    %broadcast_in_dim3A_124 = vector.broadcast %jit3A_123 : i32 to vector<256x128xi32>
    %select_n3A_125 = arith.select %gt3A_121, %broadcast_in_dim3A_124, %select_n3A_119 : vector<256x128xi1>, vector<256x128xi32>
    %slice3A_126 = vector.extract_strided_slice %get3A_1 {offsets = [0, 2816], sizes = [256, 128], strides = [1, 1]} : vector<256x8192xf32> to vector<256x128xf32>
    %gt3A_127 = arith.cmpf ogt, %slice3A_126, %select_n3A_122 : vector<256x128xf32>
    %select_n3A_128 = arith.select %gt3A_127, %slice3A_126, %select_n3A_122 : vector<256x128xi1>, vector<256x128xf32>
    %jit3A_129 = arith.constant 22 : i32
    %broadcast_in_dim3A_130 = vector.broadcast %jit3A_129 : i32 to vector<256x128xi32>
    %select_n3A_131 = arith.select %gt3A_127, %broadcast_in_dim3A_130, %select_n3A_125 : vector<256x128xi1>, vector<256x128xi32>
    %slice3A_132 = vector.extract_strided_slice %get3A_1 {offsets = [0, 2944], sizes = [256, 128], strides = [1, 1]} : vector<256x8192xf32> to vector<256x128xf32>
    %gt3A_133 = arith.cmpf ogt, %slice3A_132, %select_n3A_128 : vector<256x128xf32>
    %select_n3A_134 = arith.select %gt3A_133, %slice3A_132, %select_n3A_128 : vector<256x128xi1>, vector<256x128xf32>
    %jit3A_135 = arith.constant 23 : i32
    %broadcast_in_dim3A_136 = vector.broadcast %jit3A_135 : i32 to vector<256x128xi32>
    %select_n3A_137 = arith.select %gt3A_133, %broadcast_in_dim3A_136, %select_n3A_131 : vector<256x128xi1>, vector<256x128xi32>
    %slice3A_138 = vector.extract_strided_slice %get3A_1 {offsets = [0, 3072], sizes = [256, 128], strides = [1, 1]} : vector<256x8192xf32> to vector<256x128xf32>
    %gt3A_139 = arith.cmpf ogt, %slice3A_138, %select_n3A_134 : vector<256x128xf32>
    %select_n3A_140 = arith.select %gt3A_139, %slice3A_138, %select_n3A_134 : vector<256x128xi1>, vector<256x128xf32>
    %jit3A_141 = arith.constant 24 : i32
    %broadcast_in_dim3A_142 = vector.broadcast %jit3A_141 : i32 to vector<256x128xi32>
    %select_n3A_143 = arith.select %gt3A_139, %broadcast_in_dim3A_142, %select_n3A_137 : vector<256x128xi1>, vector<256x128xi32>
    %slice3A_144 = vector.extract_strided_slice %get3A_1 {offsets = [0, 3200], sizes = [256, 128], strides = [1, 1]} : vector<256x8192xf32> to vector<256x128xf32>
    %gt3A_145 = arith.cmpf ogt, %slice3A_144, %select_n3A_140 : vector<256x128xf32>
    %select_n3A_146 = arith.select %gt3A_145, %slice3A_144, %select_n3A_140 : vector<256x128xi1>, vector<256x128xf32>
    %jit3A_147 = arith.constant 25 : i32
    %broadcast_in_dim3A_148 = vector.broadcast %jit3A_147 : i32 to vector<256x128xi32>
    %select_n3A_149 = arith.select %gt3A_145, %broadcast_in_dim3A_148, %select_n3A_143 : vector<256x128xi1>, vector<256x128xi32>
    %slice3A_150 = vector.extract_strided_slice %get3A_1 {offsets = [0, 3328], sizes = [256, 128], strides = [1, 1]} : vector<256x8192xf32> to vector<256x128xf32>
    %gt3A_151 = arith.cmpf ogt, %slice3A_150, %select_n3A_146 : vector<256x128xf32>
    %select_n3A_152 = arith.select %gt3A_151, %slice3A_150, %select_n3A_146 : vector<256x128xi1>, vector<256x128xf32>
    %jit3A_153 = arith.constant 26 : i32
    %broadcast_in_dim3A_154 = vector.broadcast %jit3A_153 : i32 to vector<256x128xi32>
    %select_n3A_155 = arith.select %gt3A_151, %broadcast_in_dim3A_154, %select_n3A_149 : vector<256x128xi1>, vector<256x128xi32>
    %slice3A_156 = vector.extract_strided_slice %get3A_1 {offsets = [0, 3456], sizes = [256, 128], strides = [1, 1]} : vector<256x8192xf32> to vector<256x128xf32>
    %gt3A_157 = arith.cmpf ogt, %slice3A_156, %select_n3A_152 : vector<256x128xf32>
    %select_n3A_158 = arith.select %gt3A_157, %slice3A_156, %select_n3A_152 : vector<256x128xi1>, vector<256x128xf32>
    %jit3A_159 = arith.constant 27 : i32
    %broadcast_in_dim3A_160 = vector.broadcast %jit3A_159 : i32 to vector<256x128xi32>
    %select_n3A_161 = arith.select %gt3A_157, %broadcast_in_dim3A_160, %select_n3A_155 : vector<256x128xi1>, vector<256x128xi32>
    %slice3A_162 = vector.extract_strided_slice %get3A_1 {offsets = [0, 3584], sizes = [256, 128], strides = [1, 1]} : vector<256x8192xf32> to vector<256x128xf32>
    %gt3A_163 = arith.cmpf ogt, %slice3A_162, %select_n3A_158 : vector<256x128xf32>
    %select_n3A_164 = arith.select %gt3A_163, %slice3A_162, %select_n3A_158 : vector<256x128xi1>, vector<256x128xf32>
    %jit3A_165 = arith.constant 28 : i32
    %broadcast_in_dim3A_166 = vector.broadcast %jit3A_165 : i32 to vector<256x128xi32>
    %select_n3A_167 = arith.select %gt3A_163, %broadcast_in_dim3A_166, %select_n3A_161 : vector<256x128xi1>, vector<256x128xi32>
    %slice3A_168 = vector.extract_strided_slice %get3A_1 {offsets = [0, 3712], sizes = [256, 128], strides = [1, 1]} : vector<256x8192xf32> to vector<256x128xf32>
    %gt3A_169 = arith.cmpf ogt, %slice3A_168, %select_n3A_164 : vector<256x128xf32>
    %select_n3A_170 = arith.select %gt3A_169, %slice3A_168, %select_n3A_164 : vector<256x128xi1>, vector<256x128xf32>
    %jit3A_171 = arith.constant 29 : i32
    %broadcast_in_dim3A_172 = vector.broadcast %jit3A_171 : i32 to vector<256x128xi32>
    %select_n3A_173 = arith.select %gt3A_169, %broadcast_in_dim3A_172, %select_n3A_167 : vector<256x128xi1>, vector<256x128xi32>
    %slice3A_174 = vector.extract_strided_slice %get3A_1 {offsets = [0, 3840], sizes = [256, 128], strides = [1, 1]} : vector<256x8192xf32> to vector<256x128xf32>
    %gt3A_175 = arith.cmpf ogt, %slice3A_174, %select_n3A_170 : vector<256x128xf32>
    %select_n3A_176 = arith.select %gt3A_175, %slice3A_174, %select_n3A_170 : vector<256x128xi1>, vector<256x128xf32>
    %jit3A_177 = arith.constant 30 : i32
    %broadcast_in_dim3A_178 = vector.broadcast %jit3A_177 : i32 to vector<256x128xi32>
    %select_n3A_179 = arith.select %gt3A_175, %broadcast_in_dim3A_178, %select_n3A_173 : vector<256x128xi1>, vector<256x128xi32>
    %slice3A_180 = vector.extract_strided_slice %get3A_1 {offsets = [0, 3968], sizes = [256, 128], strides = [1, 1]} : vector<256x8192xf32> to vector<256x128xf32>
    %gt3A_181 = arith.cmpf ogt, %slice3A_180, %select_n3A_176 : vector<256x128xf32>
    %select_n3A_182 = arith.select %gt3A_181, %slice3A_180, %select_n3A_176 : vector<256x128xi1>, vector<256x128xf32>
    %jit3A_183 = arith.constant 31 : i32
    %broadcast_in_dim3A_184 = vector.broadcast %jit3A_183 : i32 to vector<256x128xi32>
    %select_n3A_185 = arith.select %gt3A_181, %broadcast_in_dim3A_184, %select_n3A_179 : vector<256x128xi1>, vector<256x128xi32>
    %slice3A_186 = vector.extract_strided_slice %get3A_1 {offsets = [0, 4096], sizes = [256, 128], strides = [1, 1]} : vector<256x8192xf32> to vector<256x128xf32>
    %gt3A_187 = arith.cmpf ogt, %slice3A_186, %select_n3A_182 : vector<256x128xf32>
    %select_n3A_188 = arith.select %gt3A_187, %slice3A_186, %select_n3A_182 : vector<256x128xi1>, vector<256x128xf32>
    %jit3A_189 = arith.constant 32 : i32
    %broadcast_in_dim3A_190 = vector.broadcast %jit3A_189 : i32 to vector<256x128xi32>
    %select_n3A_191 = arith.select %gt3A_187, %broadcast_in_dim3A_190, %select_n3A_185 : vector<256x128xi1>, vector<256x128xi32>
    %slice3A_192 = vector.extract_strided_slice %get3A_1 {offsets = [0, 4224], sizes = [256, 128], strides = [1, 1]} : vector<256x8192xf32> to vector<256x128xf32>
    %gt3A_193 = arith.cmpf ogt, %slice3A_192, %select_n3A_188 : vector<256x128xf32>
    %select_n3A_194 = arith.select %gt3A_193, %slice3A_192, %select_n3A_188 : vector<256x128xi1>, vector<256x128xf32>
    %jit3A_195 = arith.constant 33 : i32
    %broadcast_in_dim3A_196 = vector.broadcast %jit3A_195 : i32 to vector<256x128xi32>
    %select_n3A_197 = arith.select %gt3A_193, %broadcast_in_dim3A_196, %select_n3A_191 : vector<256x128xi1>, vector<256x128xi32>
    %slice3A_198 = vector.extract_strided_slice %get3A_1 {offsets = [0, 4352], sizes = [256, 128], strides = [1, 1]} : vector<256x8192xf32> to vector<256x128xf32>
    %gt3A_199 = arith.cmpf ogt, %slice3A_198, %select_n3A_194 : vector<256x128xf32>
    %select_n3A_200 = arith.select %gt3A_199, %slice3A_198, %select_n3A_194 : vector<256x128xi1>, vector<256x128xf32>
    %jit3A_201 = arith.constant 34 : i32
    %broadcast_in_dim3A_202 = vector.broadcast %jit3A_201 : i32 to vector<256x128xi32>
    %select_n3A_203 = arith.select %gt3A_199, %broadcast_in_dim3A_202, %select_n3A_197 : vector<256x128xi1>, vector<256x128xi32>
    %slice3A_204 = vector.extract_strided_slice %get3A_1 {offsets = [0, 4480], sizes = [256, 128], strides = [1, 1]} : vector<256x8192xf32> to vector<256x128xf32>
    %gt3A_205 = arith.cmpf ogt, %slice3A_204, %select_n3A_200 : vector<256x128xf32>
    %select_n3A_206 = arith.select %gt3A_205, %slice3A_204, %select_n3A_200 : vector<256x128xi1>, vector<256x128xf32>
    %jit3A_207 = arith.constant 35 : i32
    %broadcast_in_dim3A_208 = vector.broadcast %jit3A_207 : i32 to vector<256x128xi32>
    %select_n3A_209 = arith.select %gt3A_205, %broadcast_in_dim3A_208, %select_n3A_203 : vector<256x128xi1>, vector<256x128xi32>
    %slice3A_210 = vector.extract_strided_slice %get3A_1 {offsets = [0, 4608], sizes = [256, 128], strides = [1, 1]} : vector<256x8192xf32> to vector<256x128xf32>
    %gt3A_211 = arith.cmpf ogt, %slice3A_210, %select_n3A_206 : vector<256x128xf32>
    %select_n3A_212 = arith.select %gt3A_211, %slice3A_210, %select_n3A_206 : vector<256x128xi1>, vector<256x128xf32>
    %jit3A_213 = arith.constant 36 : i32
    %broadcast_in_dim3A_214 = vector.broadcast %jit3A_213 : i32 to vector<256x128xi32>
    %select_n3A_215 = arith.select %gt3A_211, %broadcast_in_dim3A_214, %select_n3A_209 : vector<256x128xi1>, vector<256x128xi32>
    %slice3A_216 = vector.extract_strided_slice %get3A_1 {offsets = [0, 4736], sizes = [256, 128], strides = [1, 1]} : vector<256x8192xf32> to vector<256x128xf32>
    %gt3A_217 = arith.cmpf ogt, %slice3A_216, %select_n3A_212 : vector<256x128xf32>
    %select_n3A_218 = arith.select %gt3A_217, %slice3A_216, %select_n3A_212 : vector<256x128xi1>, vector<256x128xf32>
    %jit3A_219 = arith.constant 37 : i32
    %broadcast_in_dim3A_220 = vector.broadcast %jit3A_219 : i32 to vector<256x128xi32>
    %select_n3A_221 = arith.select %gt3A_217, %broadcast_in_dim3A_220, %select_n3A_215 : vector<256x128xi1>, vector<256x128xi32>
    %slice3A_222 = vector.extract_strided_slice %get3A_1 {offsets = [0, 4864], sizes = [256, 128], strides = [1, 1]} : vector<256x8192xf32> to vector<256x128xf32>
    %gt3A_223 = arith.cmpf ogt, %slice3A_222, %select_n3A_218 : vector<256x128xf32>
    %select_n3A_224 = arith.select %gt3A_223, %slice3A_222, %select_n3A_218 : vector<256x128xi1>, vector<256x128xf32>
    %jit3A_225 = arith.constant 38 : i32
    %broadcast_in_dim3A_226 = vector.broadcast %jit3A_225 : i32 to vector<256x128xi32>
    %select_n3A_227 = arith.select %gt3A_223, %broadcast_in_dim3A_226, %select_n3A_221 : vector<256x128xi1>, vector<256x128xi32>
    %slice3A_228 = vector.extract_strided_slice %get3A_1 {offsets = [0, 4992], sizes = [256, 128], strides = [1, 1]} : vector<256x8192xf32> to vector<256x128xf32>
    %gt3A_229 = arith.cmpf ogt, %slice3A_228, %select_n3A_224 : vector<256x128xf32>
    %select_n3A_230 = arith.select %gt3A_229, %slice3A_228, %select_n3A_224 : vector<256x128xi1>, vector<256x128xf32>
    %jit3A_231 = arith.constant 39 : i32
    %broadcast_in_dim3A_232 = vector.broadcast %jit3A_231 : i32 to vector<256x128xi32>
    %select_n3A_233 = arith.select %gt3A_229, %broadcast_in_dim3A_232, %select_n3A_227 : vector<256x128xi1>, vector<256x128xi32>
    %slice3A_234 = vector.extract_strided_slice %get3A_1 {offsets = [0, 5120], sizes = [256, 128], strides = [1, 1]} : vector<256x8192xf32> to vector<256x128xf32>
    %gt3A_235 = arith.cmpf ogt, %slice3A_234, %select_n3A_230 : vector<256x128xf32>
    %select_n3A_236 = arith.select %gt3A_235, %slice3A_234, %select_n3A_230 : vector<256x128xi1>, vector<256x128xf32>
    %jit3A_237 = arith.constant 40 : i32
    %broadcast_in_dim3A_238 = vector.broadcast %jit3A_237 : i32 to vector<256x128xi32>
    %select_n3A_239 = arith.select %gt3A_235, %broadcast_in_dim3A_238, %select_n3A_233 : vector<256x128xi1>, vector<256x128xi32>
    %slice3A_240 = vector.extract_strided_slice %get3A_1 {offsets = [0, 5248], sizes = [256, 128], strides = [1, 1]} : vector<256x8192xf32> to vector<256x128xf32>
    %gt3A_241 = arith.cmpf ogt, %slice3A_240, %select_n3A_236 : vector<256x128xf32>
    %select_n3A_242 = arith.select %gt3A_241, %slice3A_240, %select_n3A_236 : vector<256x128xi1>, vector<256x128xf32>
    %jit3A_243 = arith.constant 41 : i32
    %broadcast_in_dim3A_244 = vector.broadcast %jit3A_243 : i32 to vector<256x128xi32>
    %select_n3A_245 = arith.select %gt3A_241, %broadcast_in_dim3A_244, %select_n3A_239 : vector<256x128xi1>, vector<256x128xi32>
    %slice3A_246 = vector.extract_strided_slice %get3A_1 {offsets = [0, 5376], sizes = [256, 128], strides = [1, 1]} : vector<256x8192xf32> to vector<256x128xf32>
    %gt3A_247 = arith.cmpf ogt, %slice3A_246, %select_n3A_242 : vector<256x128xf32>
    %select_n3A_248 = arith.select %gt3A_247, %slice3A_246, %select_n3A_242 : vector<256x128xi1>, vector<256x128xf32>
    %jit3A_249 = arith.constant 42 : i32
    %broadcast_in_dim3A_250 = vector.broadcast %jit3A_249 : i32 to vector<256x128xi32>
    %select_n3A_251 = arith.select %gt3A_247, %broadcast_in_dim3A_250, %select_n3A_245 : vector<256x128xi1>, vector<256x128xi32>
    %slice3A_252 = vector.extract_strided_slice %get3A_1 {offsets = [0, 5504], sizes = [256, 128], strides = [1, 1]} : vector<256x8192xf32> to vector<256x128xf32>
    %gt3A_253 = arith.cmpf ogt, %slice3A_252, %select_n3A_248 : vector<256x128xf32>
    %select_n3A_254 = arith.select %gt3A_253, %slice3A_252, %select_n3A_248 : vector<256x128xi1>, vector<256x128xf32>
    %jit3A_255 = arith.constant 43 : i32
    %broadcast_in_dim3A_256 = vector.broadcast %jit3A_255 : i32 to vector<256x128xi32>
    %select_n3A_257 = arith.select %gt3A_253, %broadcast_in_dim3A_256, %select_n3A_251 : vector<256x128xi1>, vector<256x128xi32>
    %slice3A_258 = vector.extract_strided_slice %get3A_1 {offsets = [0, 5632], sizes = [256, 128], strides = [1, 1]} : vector<256x8192xf32> to vector<256x128xf32>
    %gt3A_259 = arith.cmpf ogt, %slice3A_258, %select_n3A_254 : vector<256x128xf32>
    %select_n3A_260 = arith.select %gt3A_259, %slice3A_258, %select_n3A_254 : vector<256x128xi1>, vector<256x128xf32>
    %jit3A_261 = arith.constant 44 : i32
    %broadcast_in_dim3A_262 = vector.broadcast %jit3A_261 : i32 to vector<256x128xi32>
    %select_n3A_263 = arith.select %gt3A_259, %broadcast_in_dim3A_262, %select_n3A_257 : vector<256x128xi1>, vector<256x128xi32>
    %slice3A_264 = vector.extract_strided_slice %get3A_1 {offsets = [0, 5760], sizes = [256, 128], strides = [1, 1]} : vector<256x8192xf32> to vector<256x128xf32>
    %gt3A_265 = arith.cmpf ogt, %slice3A_264, %select_n3A_260 : vector<256x128xf32>
    %select_n3A_266 = arith.select %gt3A_265, %slice3A_264, %select_n3A_260 : vector<256x128xi1>, vector<256x128xf32>
    %jit3A_267 = arith.constant 45 : i32
    %broadcast_in_dim3A_268 = vector.broadcast %jit3A_267 : i32 to vector<256x128xi32>
    %select_n3A_269 = arith.select %gt3A_265, %broadcast_in_dim3A_268, %select_n3A_263 : vector<256x128xi1>, vector<256x128xi32>
    %slice3A_270 = vector.extract_strided_slice %get3A_1 {offsets = [0, 5888], sizes = [256, 128], strides = [1, 1]} : vector<256x8192xf32> to vector<256x128xf32>
    %gt3A_271 = arith.cmpf ogt, %slice3A_270, %select_n3A_266 : vector<256x128xf32>
    %select_n3A_272 = arith.select %gt3A_271, %slice3A_270, %select_n3A_266 : vector<256x128xi1>, vector<256x128xf32>
    %jit3A_273 = arith.constant 46 : i32
    %broadcast_in_dim3A_274 = vector.broadcast %jit3A_273 : i32 to vector<256x128xi32>
    %select_n3A_275 = arith.select %gt3A_271, %broadcast_in_dim3A_274, %select_n3A_269 : vector<256x128xi1>, vector<256x128xi32>
    %slice3A_276 = vector.extract_strided_slice %get3A_1 {offsets = [0, 6016], sizes = [256, 128], strides = [1, 1]} : vector<256x8192xf32> to vector<256x128xf32>
    %gt3A_277 = arith.cmpf ogt, %slice3A_276, %select_n3A_272 : vector<256x128xf32>
    %select_n3A_278 = arith.select %gt3A_277, %slice3A_276, %select_n3A_272 : vector<256x128xi1>, vector<256x128xf32>
    %jit3A_279 = arith.constant 47 : i32
    %broadcast_in_dim3A_280 = vector.broadcast %jit3A_279 : i32 to vector<256x128xi32>
    %select_n3A_281 = arith.select %gt3A_277, %broadcast_in_dim3A_280, %select_n3A_275 : vector<256x128xi1>, vector<256x128xi32>
    %slice3A_282 = vector.extract_strided_slice %get3A_1 {offsets = [0, 6144], sizes = [256, 128], strides = [1, 1]} : vector<256x8192xf32> to vector<256x128xf32>
    %gt3A_283 = arith.cmpf ogt, %slice3A_282, %select_n3A_278 : vector<256x128xf32>
    %select_n3A_284 = arith.select %gt3A_283, %slice3A_282, %select_n3A_278 : vector<256x128xi1>, vector<256x128xf32>
    %jit3A_285 = arith.constant 48 : i32
    %broadcast_in_dim3A_286 = vector.broadcast %jit3A_285 : i32 to vector<256x128xi32>
    %select_n3A_287 = arith.select %gt3A_283, %broadcast_in_dim3A_286, %select_n3A_281 : vector<256x128xi1>, vector<256x128xi32>
    %slice3A_288 = vector.extract_strided_slice %get3A_1 {offsets = [0, 6272], sizes = [256, 128], strides = [1, 1]} : vector<256x8192xf32> to vector<256x128xf32>
    %gt3A_289 = arith.cmpf ogt, %slice3A_288, %select_n3A_284 : vector<256x128xf32>
    %select_n3A_290 = arith.select %gt3A_289, %slice3A_288, %select_n3A_284 : vector<256x128xi1>, vector<256x128xf32>
    %jit3A_291 = arith.constant 49 : i32
    %broadcast_in_dim3A_292 = vector.broadcast %jit3A_291 : i32 to vector<256x128xi32>
    %select_n3A_293 = arith.select %gt3A_289, %broadcast_in_dim3A_292, %select_n3A_287 : vector<256x128xi1>, vector<256x128xi32>
    %slice3A_294 = vector.extract_strided_slice %get3A_1 {offsets = [0, 6400], sizes = [256, 128], strides = [1, 1]} : vector<256x8192xf32> to vector<256x128xf32>
    %gt3A_295 = arith.cmpf ogt, %slice3A_294, %select_n3A_290 : vector<256x128xf32>
    %select_n3A_296 = arith.select %gt3A_295, %slice3A_294, %select_n3A_290 : vector<256x128xi1>, vector<256x128xf32>
    %jit3A_297 = arith.constant 50 : i32
    %broadcast_in_dim3A_298 = vector.broadcast %jit3A_297 : i32 to vector<256x128xi32>
    %select_n3A_299 = arith.select %gt3A_295, %broadcast_in_dim3A_298, %select_n3A_293 : vector<256x128xi1>, vector<256x128xi32>
    %slice3A_300 = vector.extract_strided_slice %get3A_1 {offsets = [0, 6528], sizes = [256, 128], strides = [1, 1]} : vector<256x8192xf32> to vector<256x128xf32>
    %gt3A_301 = arith.cmpf ogt, %slice3A_300, %select_n3A_296 : vector<256x128xf32>
    %select_n3A_302 = arith.select %gt3A_301, %slice3A_300, %select_n3A_296 : vector<256x128xi1>, vector<256x128xf32>
    %jit3A_303 = arith.constant 51 : i32
    %broadcast_in_dim3A_304 = vector.broadcast %jit3A_303 : i32 to vector<256x128xi32>
    %select_n3A_305 = arith.select %gt3A_301, %broadcast_in_dim3A_304, %select_n3A_299 : vector<256x128xi1>, vector<256x128xi32>
    %slice3A_306 = vector.extract_strided_slice %get3A_1 {offsets = [0, 6656], sizes = [256, 128], strides = [1, 1]} : vector<256x8192xf32> to vector<256x128xf32>
    %gt3A_307 = arith.cmpf ogt, %slice3A_306, %select_n3A_302 : vector<256x128xf32>
    %select_n3A_308 = arith.select %gt3A_307, %slice3A_306, %select_n3A_302 : vector<256x128xi1>, vector<256x128xf32>
    %jit3A_309 = arith.constant 52 : i32
    %broadcast_in_dim3A_310 = vector.broadcast %jit3A_309 : i32 to vector<256x128xi32>
    %select_n3A_311 = arith.select %gt3A_307, %broadcast_in_dim3A_310, %select_n3A_305 : vector<256x128xi1>, vector<256x128xi32>
    %slice3A_312 = vector.extract_strided_slice %get3A_1 {offsets = [0, 6784], sizes = [256, 128], strides = [1, 1]} : vector<256x8192xf32> to vector<256x128xf32>
    %gt3A_313 = arith.cmpf ogt, %slice3A_312, %select_n3A_308 : vector<256x128xf32>
    %select_n3A_314 = arith.select %gt3A_313, %slice3A_312, %select_n3A_308 : vector<256x128xi1>, vector<256x128xf32>
    %jit3A_315 = arith.constant 53 : i32
    %broadcast_in_dim3A_316 = vector.broadcast %jit3A_315 : i32 to vector<256x128xi32>
    %select_n3A_317 = arith.select %gt3A_313, %broadcast_in_dim3A_316, %select_n3A_311 : vector<256x128xi1>, vector<256x128xi32>
    %slice3A_318 = vector.extract_strided_slice %get3A_1 {offsets = [0, 6912], sizes = [256, 128], strides = [1, 1]} : vector<256x8192xf32> to vector<256x128xf32>
    %gt3A_319 = arith.cmpf ogt, %slice3A_318, %select_n3A_314 : vector<256x128xf32>
    %select_n3A_320 = arith.select %gt3A_319, %slice3A_318, %select_n3A_314 : vector<256x128xi1>, vector<256x128xf32>
    %jit3A_321 = arith.constant 54 : i32
    %broadcast_in_dim3A_322 = vector.broadcast %jit3A_321 : i32 to vector<256x128xi32>
    %select_n3A_323 = arith.select %gt3A_319, %broadcast_in_dim3A_322, %select_n3A_317 : vector<256x128xi1>, vector<256x128xi32>
    %slice3A_324 = vector.extract_strided_slice %get3A_1 {offsets = [0, 7040], sizes = [256, 128], strides = [1, 1]} : vector<256x8192xf32> to vector<256x128xf32>
    %gt3A_325 = arith.cmpf ogt, %slice3A_324, %select_n3A_320 : vector<256x128xf32>
    %select_n3A_326 = arith.select %gt3A_325, %slice3A_324, %select_n3A_320 : vector<256x128xi1>, vector<256x128xf32>
    %jit3A_327 = arith.constant 55 : i32
    %broadcast_in_dim3A_328 = vector.broadcast %jit3A_327 : i32 to vector<256x128xi32>
    %select_n3A_329 = arith.select %gt3A_325, %broadcast_in_dim3A_328, %select_n3A_323 : vector<256x128xi1>, vector<256x128xi32>
    %slice3A_330 = vector.extract_strided_slice %get3A_1 {offsets = [0, 7168], sizes = [256, 128], strides = [1, 1]} : vector<256x8192xf32> to vector<256x128xf32>
    %gt3A_331 = arith.cmpf ogt, %slice3A_330, %select_n3A_326 : vector<256x128xf32>
    %select_n3A_332 = arith.select %gt3A_331, %slice3A_330, %select_n3A_326 : vector<256x128xi1>, vector<256x128xf32>
    %jit3A_333 = arith.constant 56 : i32
    %broadcast_in_dim3A_334 = vector.broadcast %jit3A_333 : i32 to vector<256x128xi32>
    %select_n3A_335 = arith.select %gt3A_331, %broadcast_in_dim3A_334, %select_n3A_329 : vector<256x128xi1>, vector<256x128xi32>
    %slice3A_336 = vector.extract_strided_slice %get3A_1 {offsets = [0, 7296], sizes = [256, 128], strides = [1, 1]} : vector<256x8192xf32> to vector<256x128xf32>
    %gt3A_337 = arith.cmpf ogt, %slice3A_336, %select_n3A_332 : vector<256x128xf32>
    %select_n3A_338 = arith.select %gt3A_337, %slice3A_336, %select_n3A_332 : vector<256x128xi1>, vector<256x128xf32>
    %jit3A_339 = arith.constant 57 : i32
    %broadcast_in_dim3A_340 = vector.broadcast %jit3A_339 : i32 to vector<256x128xi32>
    %select_n3A_341 = arith.select %gt3A_337, %broadcast_in_dim3A_340, %select_n3A_335 : vector<256x128xi1>, vector<256x128xi32>
    %slice3A_342 = vector.extract_strided_slice %get3A_1 {offsets = [0, 7424], sizes = [256, 128], strides = [1, 1]} : vector<256x8192xf32> to vector<256x128xf32>
    %gt3A_343 = arith.cmpf ogt, %slice3A_342, %select_n3A_338 : vector<256x128xf32>
    %select_n3A_344 = arith.select %gt3A_343, %slice3A_342, %select_n3A_338 : vector<256x128xi1>, vector<256x128xf32>
    %jit3A_345 = arith.constant 58 : i32
    %broadcast_in_dim3A_346 = vector.broadcast %jit3A_345 : i32 to vector<256x128xi32>
    %select_n3A_347 = arith.select %gt3A_343, %broadcast_in_dim3A_346, %select_n3A_341 : vector<256x128xi1>, vector<256x128xi32>
    %slice3A_348 = vector.extract_strided_slice %get3A_1 {offsets = [0, 7552], sizes = [256, 128], strides = [1, 1]} : vector<256x8192xf32> to vector<256x128xf32>
    %gt3A_349 = arith.cmpf ogt, %slice3A_348, %select_n3A_344 : vector<256x128xf32>
    %select_n3A_350 = arith.select %gt3A_349, %slice3A_348, %select_n3A_344 : vector<256x128xi1>, vector<256x128xf32>
    %jit3A_351 = arith.constant 59 : i32
    %broadcast_in_dim3A_352 = vector.broadcast %jit3A_351 : i32 to vector<256x128xi32>
    %select_n3A_353 = arith.select %gt3A_349, %broadcast_in_dim3A_352, %select_n3A_347 : vector<256x128xi1>, vector<256x128xi32>
    %slice3A_354 = vector.extract_strided_slice %get3A_1 {offsets = [0, 7680], sizes = [256, 128], strides = [1, 1]} : vector<256x8192xf32> to vector<256x128xf32>
    %gt3A_355 = arith.cmpf ogt, %slice3A_354, %select_n3A_350 : vector<256x128xf32>
    %select_n3A_356 = arith.select %gt3A_355, %slice3A_354, %select_n3A_350 : vector<256x128xi1>, vector<256x128xf32>
    %jit3A_357 = arith.constant 60 : i32
    %broadcast_in_dim3A_358 = vector.broadcast %jit3A_357 : i32 to vector<256x128xi32>
    %select_n3A_359 = arith.select %gt3A_355, %broadcast_in_dim3A_358, %select_n3A_353 : vector<256x128xi1>, vector<256x128xi32>
    %slice3A_360 = vector.extract_strided_slice %get3A_1 {offsets = [0, 7808], sizes = [256, 128], strides = [1, 1]} : vector<256x8192xf32> to vector<256x128xf32>
    %gt3A_361 = arith.cmpf ogt, %slice3A_360, %select_n3A_356 : vector<256x128xf32>
    %select_n3A_362 = arith.select %gt3A_361, %slice3A_360, %select_n3A_356 : vector<256x128xi1>, vector<256x128xf32>
    %jit3A_363 = arith.constant 61 : i32
    %broadcast_in_dim3A_364 = vector.broadcast %jit3A_363 : i32 to vector<256x128xi32>
    %select_n3A_365 = arith.select %gt3A_361, %broadcast_in_dim3A_364, %select_n3A_359 : vector<256x128xi1>, vector<256x128xi32>
    %slice3A_366 = vector.extract_strided_slice %get3A_1 {offsets = [0, 7936], sizes = [256, 128], strides = [1, 1]} : vector<256x8192xf32> to vector<256x128xf32>
    %gt3A_367 = arith.cmpf ogt, %slice3A_366, %select_n3A_362 : vector<256x128xf32>
    %select_n3A_368 = arith.select %gt3A_367, %slice3A_366, %select_n3A_362 : vector<256x128xi1>, vector<256x128xf32>
    %jit3A_369 = arith.constant 62 : i32
    %broadcast_in_dim3A_370 = vector.broadcast %jit3A_369 : i32 to vector<256x128xi32>
    %select_n3A_371 = arith.select %gt3A_367, %broadcast_in_dim3A_370, %select_n3A_365 : vector<256x128xi1>, vector<256x128xi32>
    %slice3A_372 = vector.extract_strided_slice %get3A_1 {offsets = [0, 8064], sizes = [256, 128], strides = [1, 1]} : vector<256x8192xf32> to vector<256x128xf32>
    %gt3A_373 = arith.cmpf ogt, %slice3A_372, %select_n3A_368 : vector<256x128xf32>
    %select_n3A_374 = arith.select %gt3A_373, %slice3A_372, %select_n3A_368 : vector<256x128xi1>, vector<256x128xf32>
    %jit3A_375 = arith.constant 63 : i32
    %broadcast_in_dim3A_376 = vector.broadcast %jit3A_375 : i32 to vector<256x128xi32>
    %select_n3A_377 = arith.select %gt3A_373, %broadcast_in_dim3A_376, %select_n3A_371 : vector<256x128xi1>, vector<256x128xi32>
    %mul3A = arith.constant 128 : i32
    %mul3A_378 = vector.broadcast %mul3A : i32 to vector<256x128xi32>
    %mul3A_379 = arith.muli %select_n3A_377, %mul3A_378 : vector<256x128xi32>
    %iota3A = tpu.iota {dimensions = array<i32: 1>} : vector<256x128xi32>
    %add3A = arith.addi %mul3A_379, %iota3A : vector<256x128xi32>
    %reduce_max3A = arith.constant dense<0xFF800000> : vector<256xf32>
    %reduce_max3A_380 = vector.multi_reduction <maximumf>, %select_n3A_374, %reduce_max3A [1] : vector<256x128xf32> to vector<256xf32>
    %broadcast_in_dim3A_381 = vector.shape_cast %reduce_max3A_380 : vector<256xf32> to vector<256x1xf32>
    %eq3A = vector.broadcast %broadcast_in_dim3A_381 : vector<256x1xf32> to vector<256x128xf32>
    %eq3A_382 = arith.cmpf oeq, %select_n3A_374, %eq3A : vector<256x128xf32>
    %jit3A_383 = arith.constant 8192 : i32
    %broadcast_in_dim3A_384 = vector.broadcast %jit3A_383 : i32 to vector<256x128xi32>
    %select_n3A_385 = arith.select %eq3A_382, %add3A, %broadcast_in_dim3A_384 : vector<256x128xi1>, vector<256x128xi32>
    %reduce_min3A = arith.constant dense<2147483647> : vector<256xi32>
    %reduce_min3A_386 = vector.multi_reduction <minsi>, %select_n3A_385, %reduce_min3A [1] : vector<256x128xi32> to vector<256xi32>
    %swap3A = arith.constant 0 : index
    %swap3A_387 = vector.load %arg3[%swap3A] : memref<256xi32, #tpu.memory_space<vmem>>, vector<256xi32>
    tpu.vector_store %arg3[%swap3A], %reduce_min3A_386 {strides = array<i32>} : memref<256xi32, #tpu.memory_space<vmem>>, vector<256xi32>,
    %get3A_388 = arith.constant 0 : index
    %get3A_389 = arith.constant 0 : index
    %get3A_390 = vector.load %arg2[%get3A_388, %get3A_389] : memref<128x512xf32, #tpu.memory_space<vmem>>, vector<128x512xf32>
    %transpose3A = tpu.transpose %get3A_390, [1, 0] : vector<128x512xf32> -> vector<512x128xf32>
    %swap3A_391 = arith.constant 0 : index
    %swap3A_392 = arith.constant 0 : index
    %swap3A_393 = vector.load %arg4[%swap3A_391, %swap3A_392] : memref<512x128xf32, #tpu.memory_space<vmem>>, vector<512x128xf32>
    tpu.vector_store %arg4[%swap3A_391, %swap3A_392], %transpose3A {strides = array<i32>} : memref<512x128xf32, #tpu.memory_space<vmem>>, vector<512x128xf32>,
    return
  }
  func.func @transform_0(%arg0: i32) -> (i32, i32) {
    %c0_i32 = arith.constant 0 : i32
    %c0_i32_0 = arith.constant 0 : i32
    return %arg0, %c0_i32 : i32, i32
  }
  func.func @transform_1(%arg0: i32) -> (i32, i32) {
    %c0_i32 = arith.constant 0 : i32
    %c0_i32_0 = arith.constant 0 : i32
    return %c0_i32, %arg0 : i32, i32
  }
  func.func @transform_2(%arg0: i32) -> i32 {
    %c0_i32 = arith.constant 0 : i32
    return %arg0 : i32
  }
  func.func @transform_3(%arg0: i32) -> (i32, i32) {
    %c0_i32 = arith.constant 0 : i32
    %c0_i32_0 = arith.constant 0 : i32
    return %arg0, %c0_i32 : i32, i32
  }
}

</mosaic_0001>

<sc_bundles>
// kernel: kernel.4.cloned.1.call-start
scs
__scs_entry_jumppad:
0x0: {  	(pc) =	sbr.rel $0x88, $3  }
0x1: {  	(tag) =	ssettag $0x0;
	lr =	simm.s32 $0x1  }
0x2: {  	[smem:$0x3F9F] =	sst lr;
	_ =	strace $0xD0000000  }
0x3: {  	_ = 	snop  }
0x4: {  	_ = 	snop  }
0x5: {  	_ = 	snop  }
0x6: {  	_ = 	snop  }
0x7: {  	_ = 	snop  }
__scs_overlays_trampoline_lowered:
0x8: {  	[smem:$0x3FAE] =	sst s0  }
0x9: {  	[smem:$0x3FAF] =	sst s1  }
0xa: {  	[smem:$0x3FB0] =	sst s2  }
0xb: {  	[smem:$0x3FB1] =	sst s3  }
0xc: {  	[smem:$0x3FB2] =	sst s4  }
0xd: {  	[smem:$0x3FB3] =	sst s5  }
0xe: {  	[smem:$0x3FB4] =	sst s6  }
0xf: {  	[smem:$0x3FB5] =	sst s7  }
0x10: {  	[smem:$0x3FB6] =	sst s8  }
0x11: {  	[smem:$0x3FB7] =	sst s9;
	s0 =	simm.s32 @!p0 $0x0  }
0x12: {  	s1 =	sld [smem:$0x3F9D];
	s0 =	simm.s32 @p0 $0x1  }
0x13: {  	[smem:$0x3FB8] =	sst s0;
	s0 =	simm.s32 @!p1 $0x0  }
0x14: {  	s2 =	sld [smem:$0x3F9C];
	s0 =	simm.s32 @p1 $0x1  }
0x15: {  	[smem:$0x3FB9] =	sst s0;
	s0 =	simm.s32 @!p2 $0x0  }
0x16: {  	s3 =	sld [smem:$0x3FDB];
	s0 =	simm.s32 @p2 $0x1  }
0x17: {  	s4 =	simm.s32 $0x1BF5;
	[smem:$0x3FBB] =	sst s0  }
0x18: {  	s0 =	sld [smem:$0x3F9E];
	_ =	swait.ge [sflag:s4], $0x0  }
0x19: {  	s7 =	sld [smem:$0x3F9F]  }
0x1a: {  	s8 =	sadd.s32 $0xFFFFE003, lr  }
0x1b: {  	s9 =	sadd.s32 $0xFFFFFEF7, lr;
	s5 =	simm.s32 $0xFFFFFFFF;
	p2 =	slt.u32 s8, $0xFFFFF086  }
0x1c: {  	p1 =	slt.u32 s9, $0xF7A;
	s5 =	simm.s32 @!p2 $0x0  }
0x1d: {  	s5 =	simm.s32 @p1 $0x1;
	p0 =	seq.s32 s7, s2  }
0x1e: {  	s7 =	smul.u32 @!p0 $0xF7A, s2;
	p2 =	seq.s32 @!p0 s5, $0x0  }
0x1f: {  	s9 =	smul.u32 $0xF7A, s1;
	s8 =	simm.s32 @!p0 $0x1BF5;
	p2 =	por !p2, p0  }
0x20: {  	[sflag:s8] =	ssyncset.s32 @!p0 $0xFFFFF086;
	s6 =	sadd.s32 @!p0 s3, s7;
	s7 =	simm.s32 @!p0 $0x108  }
0x21: {  	s3 =	sadd.s32 s3, s9;
	s6 =	sadd.s32 @!p0 $0x88, s6;
	s7 =	simm.s32 @p2 $0x1082  }
0x22: {  	[simem:s7], [sflag:s8] =	dma.local @!p0 [hbm:s6], $0xF7A  }
0x23: {  	s9 =	sor.u32 $0xD0000000, s2;
	s6 =	simm.s32 $0x108;
	_ =	swait.ge @!p0 [sflag:s8], $0x0  }
0x24: {  	s3 =	sadd.s32 $0x88, s3;
	s6 =	simm.s32 @!p1 $0x1082;
	[sflag:s4] =	ssyncset.s32 $0xFFFFF086  }
0x25: {  	[simem:s6], [sflag:s4] =	dma.local [hbm:s3], $0xF7A  }
0x26: {  	[smem:$0x3F9F] =	sst s1;
	(tag) =	ssettag s2;
	_ =	strace s9  }
0x27: {  	s1 =	sld [smem:$0x3FAF]  }
0x28: {  	s2 =	sld [smem:$0x3FB0]  }
0x29: {  	s4 =	sld [smem:$0x3FB2]  }
0x2a: {  	p0 =	seq.s32 s5, $0x0;
	s5 =	sld [smem:$0x3FB3]  }
0x2b: {  	s6 =	sld [smem:$0x3FB4]  }
0x2c: {  	s7 =	sld [smem:$0x3FB5]  }
0x2d: {  	s3 =	simm.s32 $0x108;
	s8 =	sld [smem:$0x3FB6]  }
0x2e: {  	s3 =	simm.s32 @!p0 $0x1082;
	s9 =	sld [smem:$0x3FB7]  }
0x2f: {  	lr =	sadd.s32 s0, s3;
	s0 =	sld [smem:$0x3FAE]  }
0x30: {  	s3 =	sld [smem:$0x3FB1]  }
0x31: {  	[smem:$0x3FBA] =	sst s10  }
0x32: {  	s10 =	sld [smem:$0x3FB8];
	_ =	sdelay $0x3  }
0x33: {  	p0 =	seq.s32 s10, $0x1;
	s10 =	sld [smem:$0x3FBA];
	_ =	sdelay $0x3  }
0x34: {  	[smem:$0x3FBA] =	sst s10  }
0x35: {  	s10 =	sld [smem:$0x3FB9];
	_ =	sdelay $0x3  }
0x36: {  	p1 =	seq.s32 s10, $0x1;
	s10 =	sld [smem:$0x3FBA];
	_ =	sdelay $0x3  }
0x37: {  	[smem:$0x3FBA] =	sst s10  }
0x38: {  	s10 =	sld [smem:$0x3FBB]  }
0x39: {  	_ = 	snop;
	(pc) =	sbr.ind lr, $3  }
0x3a: {  	_ = 	snop  }
0x3b: {  	_ = 	snop  }
0x3c: {  	p2 =	seq.s32 s10, $0x1;
	s10 =	sld [smem:$0x3FBA]  }
0x3d: {  	_ =	shalt  }
0x3e: {  	_ =	shalt  }
0x3f: {  	_ =	shalt  }
0x40: {  	_ =	shalt  }
0x41: {  	_ =	shalt  }
0x42: {  	_ =	shalt  }
0x43: {  	_ =	shalt  }
0x44: {  	_ =	shalt  }
0x45: {  	_ =	shalt  }
0x46: {  	_ =	shalt  }
0x47: {  	_ =	shalt  }
0x48: {  	_ =	shalt  }
0x49: {  	_ =	shalt  }
0x4a: {  	_ =	shalt  }
0x4b: {  	_ =	shalt  }
0x4c: {  	_ =	shalt  }
0x4d: {  	_ =	shalt  }
0x4e: {  	_ =	shalt  }
0x4f: {  	_ =	shalt  }
0x50: {  	_ =	shalt  }
0x51: {  	_ =	shalt  }
0x52: {  	_ =	shalt  }
0x53: {  	_ =	shalt  }
0x54: {  	_ =	shalt  }
0x55: {  	_ =	shalt  }
0x56: {  	_ =	shalt  }
0x57: {  	_ =	shalt  }
0x58: {  	_ =	shalt  }
0x59: {  	_ =	shalt  }
0x5a: {  	_ =	shalt  }
0x5b: {  	_ =	shalt  }
0x5c: {  	_ =	shalt  }
0x5d: {  	_ =	shalt  }
0x5e: {  	_ =	shalt  }
0x5f: {  	_ =	shalt  }
0x60: {  	_ =	shalt  }
0x61: {  	_ =	shalt  }
0x62: {  	_ =	shalt  }
0x63: {  	_ =	shalt  }
0x64: {  	_ =	shalt  }
0x65: {  	_ =	shalt  }
0x66: {  	_ =	shalt  }
0x67: {  	_ =	shalt  }
0x68: {  	_ =	shalt  }
0x69: {  	_ =	shalt  }
0x6a: {  	_ =	shalt  }
0x6b: {  	_ =	shalt  }
0x6c: {  	_ =	shalt  }
0x6d: {  	_ =	shalt  }
0x6e: {  	_ =	shalt  }
0x6f: {  	_ =	shalt  }
0x70: {  	_ =	shalt  }
0x71: {  	_ =	shalt  }
0x72: {  	_ =	shalt  }
0x73: {  	_ =	shalt  }
0x74: {  	_ =	shalt  }
0x75: {  	_ =	shalt  }
0x76: {  	_ =	shalt  }
0x77: {  	_ =	shalt  }
0x78: {  	_ =	shalt  }
0x79: {  	_ =	shalt  }
0x7a: {  	_ =	shalt  }
0x7b: {  	_ =	shalt  }
0x7c: {  	_ =	shalt  }
0x7d: {  	_ =	shalt  }
0x7e: {  	_ =	shalt  }
0x7f: {  	_ =	shalt  }
0x80: {  	_ =	shalt  }
0x81: {  	_ =	shalt  }
0x82: {  	_ =	shalt  }
0x83: {  	_ =	shalt  }
0x84: {  	_ =	shalt  }
0x85: {  	_ =	shalt  }
0x86: {  	_ =	shalt  }
0x87: {  	_ =	shalt  }
.Lfunc_end0:
.L_simem_size_0:
called_computation_lowered:
.L_overlay_start_0:
0x88: {  	s2 =	sld [smem:$0x3FD9]  }
0x89: {  	s3 =	sld [smem:$0x3FFE];
	_ =	sdelay $0x1  }
0x8a: {  	s1 =	srdreg.scid  }
0x8b: {  	s0 =	sand.u32 $0x1, s1  }
0x8c: {  	s17 =	sshll.u32 s0, $0xA;
	s2 =	sadd.s32 s3, s2  }
0x8d: {  	s2 =	sadd.s32 s2, s17  }
0x8e: {  	[smem:$0x3FC6] =	sst s2  }
0x8f: {  	_ = 	snop  }
0x90: {  	s2 =	sld [smem:$0x3FD0];
	(tm) =	ssettm $0x1  }
0x91: {  	s18 =	sld [smem:$0x3FFB];
	_ =	sdelay $0x3  }
0x92: {  	_ =	strace s18  }
0x93: {  	s3 =	sld [smem:$0x3FFC];
	_ =	sdelay $0x3  }
0x94: {  	_ =	strace s3  }
0x95: {  	s3 =	sld [smem:$0x3FFD];
	_ =	sdelay $0x3  }
0x96: {  	_ =	strace s3  }
0x97: {  	_ =	strace $0x8FFFFFFF  }
0x98: {  	s19 =	sld [smem:$0x3FDB];
	_ =	sdelay $0x1  }
0x99: {  	s4 =	simm.s32 $_scs_section_size  }
0x9a: {  	s5 =	simm.s32 $_size__tile_overlayer_lowered;
	s6 =	simm.s32 $_tile_overlayer_lowered  }
0x9b: {  	s22 =	simm.s32 $0x1BFF;
	s21 =	sshll.u32 s6, $0x1;
	s3 =	sadd.s32 s4, s19  }
0x9c: {  	s7 =	simm.s32 $0x0;
	s20 =	sshll.u32 s5, $0x1;
	s5 =	sadd.s32 s21, s3  }
0x9d: {  	[timem:s7], [sflag:s22] =	dma.local [hbm:s5], s20  }
0x9e: {  	_ =	swait.ge [sflag:s22], s20  }
0x9f: {  	s4 =	ssub.s32 $0x0, s20;
	[sflag:s22] =	ssyncset.done $0x0  }
0xa0: {  	[sflag:s22] =	ssyncadd.s32 s4;
	_ =	sdelay $0x1  }
0xa1: {  	s23 =	simm.s32 $0x1B8B  }
0xa2: {  	_ =	swait.ge [sflag:s23], $0x1  }
0xa3: {  	[sflag:s23] =	ssyncset.done $0x0  }
0xa4: {  	s25 =	simm.s32 $0x1B8E;
	s24 =	sld [smem:$0x3FFE];
	[sflag:s23] =	ssyncadd.s32 $0xFFFFFFFF  }
0xa5: {  	s26 =	simm.s32 $execute0_lowered;
	[smem:$0x3FD2] =	sst s25  }
0xa6: {  	s5 =	sshll.u32 s26, $0x1;
	_ =	strace $0x80000046;
	[dreg:$0x1] =	wrdreg $0xFFFFFFFF  }
0xa7: {  	s28 =	simm.s32 $_size_execute0_lowered;
	s3 =	sadd.s32 s3, s5;
	[dreg:$0x0] =	wrdreg $0x0  }
0xa8: {  	s5 =	sshll.u32 s28, $0x1;
	[dreg:$0x2] =	wrdreg s3  }
0xa9: {  	[dreg:$0x3] =	wrdreg s5  }
0xaa: {  	[dreg:$0x4] =	wrdreg $0xC0  }
0xab: {  	_ =	task [dreg:s7], $0x5FFFF  }
0xac: {  	[dreg:$0x1] =	wrdreg $0xFFFFFFFF  }
0xad: {  	[dreg:$0x0] =	wrdreg $0x60  }
0xae: {  	[dreg:$0x2] =	wrdreg s24  }
0xaf: {  	[dreg:$0x3] =	wrdreg s2  }
0xb0: {  	[dreg:$0x4] =	wrdreg $0x9  }
0xb1: {  	_ =	task.clear_ibuf [dreg:s7], $0x5FFFF;
	_ =	strace $0x90000046  }
0xb2: {  	s29 =	simm.s32 $0x9;
	_ =	strace $0x80000048  }
0xb3: {  	_ =	swait.ge [sflag:s29], $0x1  }
0xb4: {  	[sflag:s29] =	ssyncadd.s32 $0xFFFFFFFF  }
0xb5: {  	_ =	strace $0x90000048  }
0xb6: {  	_ =	sfence  }
0xb7: {  	s30 =	sld [smem:$0x0];
	_ =	sdelay $0x2  }
0xb8: {  	s31 =	sshll.u32 s1, $0xD;
	s1 =	sshrl.u32 s1, $0x2  }
0xb9: {  	s3 =	sand.u32 $0x4000, s31;
	s1 =	sadd.s32 s1, s30  }
0xba: {  	s0 =	sor.u32 s3, s0;
	s1 =	sshll.u32 s1, $0x11  }
0xbb: {  	s0 =	sor.u32 s1, s0  }
0xbc: {  	s0 =	sadd.s32 $0x8F2B, s0  }
0xbd: {  	[sflag:s0] =	ssyncadd.remote.s32 $0x1  }
0xbe: {  	_ =	sfence.sel $0xFFFF  }
0xbf: {  	[dreg:$0x0] =	wrdreg $0xFFFFFFFF;
	(pc) =	sbr.abs _section_cstart, $3  }
0xc0: {  	[dreg:$0x1] =	wrdreg $0xFFFFFFFF  }
0xc1: {  	_ =	task.clear_ibuf [dreg:s7], $0x2FFFF;
	_ =	strace $0x9FFFFFFF  }
0xc2: {  	(tm) =	ssettm $0x7FFFFFFF  }
0xc3: {  	_ =	shalt  }
tec
execute0_lowered:
.L_overlay_start_1:
0x0: {  	(tag) =	ssettag $0x1  }
0x1: {  	s1 =	srdreg.scid  }
0x2: {  	s12 =	rddreg [dreg:$0x0];
	s0 =	stileid.u32;
	s14 =	sand.u32 $0x1, s1  }
0x3: {  	s8 =	rddreg [dreg:$0x1];
	s3 =	sshll.u32 s0, $0x8;
	s4 =	sshll.u32 s14, $0x7  }
0x4: {  	s2 =	simm.s32 $0x0;
	s1 =	rddreg [dreg:$0x2];
	s13 =	sor.u32 s4, s3  }
0x5: {  	[smem:$0x7FF] =	sst s2;
	s3 =	sshrl.u32 s13, $0x3  }
0x6: {  	_ =	strace $0x80000047;
	s4 =	simm.s32 $0x4;
	s3 =	sadd.s32 s8, s3  }
0x7: {  	[tilespmem:s2], [sflag:$0x4] =	stream.linear.gather [hbm4b:s3+s2], $0x40, $0x38;
	[tilespmem:$0x4100] =	vst v63  }
0x8: {  	s6 =	simm.s32 $0x40;
	_ =	swait.ge [sflag:s4], $0x40  }
0x9: {  	s7 =	simm.s32 $0x100;
	s15 =	sor.u32 $0x40, s13;
	[sflag:s4] =	ssyncset.done $0x0  }
0xa: {  	s5 =	sadd.s32 $0xC00, s12;
	s9 =	sshrl.u32 s15, $0x3;
	[sflag:s4] =	ssyncadd.s32 $0xFFFFFFC0  }
0xb: {  	[tilespmem:s7], [sflag:$0x1] =	stream.indirect.gather [hbm4b:s5+s6], $0x80, s2, s6, $0xb8;
	[tilespmem:$0x4100] =	vst v63  }
0xc: {  	s8 =	sadd.s32 s8, s9;
	s9 =	simm.s32 $0x80  }
0xd: {  	[tilespmem:s9], [sflag:$0x4] =	stream.linear.gather [hbm4b:s8+s2], $0x40, $0x38;
	[tilespmem:$0x4100] =	vst v63  }
0xe: {  	_ =	swait.ge [sflag:s4], $0x40  }
0xf: {  	s10 =	simm.s32 $0x2100;
	[sflag:s4] =	ssyncset.done $0x0  }
0x10: {  	s11 =	simm.s32 $0x1;
	s17 =	ssub.s32 $0x2, s14;
	[sflag:s4] =	ssyncadd.s32 $0xFFFFFFC0  }
0x11: {  	[tilespmem:s10], [sflag:$0x2] =	stream.indirect.gather [hbm4b:s5+s6], $0x80, s9, s6, $0xb8;
	[tilespmem:$0x4100] =	vst v63  }
0x12: {  	s16 =	sadd.s32 $0x20C00, s12;
	s30 =	sshrl.u32 s17, $0x1;
	_ =	swait.ge [sflag:s11], $0x2000  }
0x13: {  	s29 =	sshll.u32 s13, $0x4;
	s13 =	simm.s32 $0x2;
	[sflag:s11] =	ssyncset.done $0x0  }
0x14: {  	s12 =	sadd.s32 s16, s29;
	s15 =	sshll.u32 s15, $0x4;
	[sflag:s11] =	ssyncadd.s32 $0xFFFFE000  }
0x15: {  	[hbm4b:s12+s2] =	stream.linear.scatter [tilespmem:s7], [sflag:$0x3], $0x2000, $0x38;
	[tilespmem:$0x4100] =	vst v63  }
0x16: {  	s14 =	sadd.s32 s16, s15;
	s15 =	ssub.s32 s17, s30;
	_ =	swait.ge [sflag:s13], $0x2000  }
0x17: {  	s31 =	smax.u32 s15, $0x1;
	[sflag:s13] =	ssyncset.done $0x0  }
0x18: {  	p0 =	sne.s32 s31, $0x1;
	[sflag:s13] =	ssyncadd.s32 $0xFFFFE000  }
0x19: {  	[hbm4b:s14+s2] =	stream.linear.scatter [tilespmem:s10], [sflag:$0x4], $0x2000, $0x38;
	[tilespmem:$0x4100] =	vst v63  }
.Ltmp0:
0x1a: {  	_ =	swait.ge [sflag:s4], $0x2000;
	(pc) =	sbr.rel @!p0 .LBB2_2-.Ltmp0, $4  }
0x1b: {  	[sflag:s4] =	ssyncset.done $0x0  }
0x1c: {  	s15 =	simm.s32 $0x3;
	[sflag:s4] =	ssyncadd.s32 $0xFFFFE000  }
0x1d: {  	_ =	swait.ge [sflag:s15], $0x2000  }
0x1e: {  	s16 =	sadd.s32 $0xFFFFFFFF, s31;
	[sflag:s15] =	ssyncset.done $0x0  }
.LBB2_1:
0x1f: {  	p0 =	sne.s32 s16, $0x1;
	s16 =	sadd.s32 $0xFFFFFFFF, s16;
	[sflag:s15] =	ssyncadd.s32 $0xFFFFE000  }
0x20: {  	[tilespmem:s2], [sflag:$0x4] =	stream.linear.gather [hbm4b:s3+s2], $0x40, $0x38;
	[tilespmem:$0x4100] =	vst v63  }
0x21: {  	_ =	swait.ge [sflag:s4], $0x40  }
0x22: {  	[sflag:s4] =	ssyncset.done $0x0  }
0x23: {  	[sflag:s4] =	ssyncadd.s32 $0xFFFFFFC0  }
0x24: {  	[tilespmem:s7], [sflag:$0x1] =	stream.indirect.gather [hbm4b:s5+s6], $0x80, s2, s6, $0xb8;
	[tilespmem:$0x4100] =	vst v63  }
0x25: {  	_ = 	snop  }
0x26: {  	[tilespmem:s9], [sflag:$0x4] =	stream.linear.gather [hbm4b:s8+s2], $0x40, $0x38;
	[tilespmem:$0x4100] =	vst v63  }
0x27: {  	_ =	swait.ge [sflag:s4], $0x40  }
0x28: {  	[sflag:s4] =	ssyncset.done $0x0  }
0x29: {  	[sflag:s4] =	ssyncadd.s32 $0xFFFFFFC0  }
0x2a: {  	[tilespmem:s10], [sflag:$0x2] =	stream.indirect.gather [hbm4b:s5+s6], $0x80, s9, s6, $0xb8;
	[tilespmem:$0x4100] =	vst v63  }
0x2b: {  	_ =	swait.ge [sflag:s11], $0x2000  }
0x2c: {  	[sflag:s11] =	ssyncset.done $0x0  }
0x2d: {  	[sflag:s11] =	ssyncadd.s32 $0xFFFFE000  }
0x2e: {  	[hbm4b:s12+s2] =	stream.linear.scatter [tilespmem:s7], [sflag:$0x3], $0x2000, $0x38;
	[tilespmem:$0x4100] =	vst v63  }
0x2f: {  	_ =	swait.ge [sflag:s13], $0x2000  }
0x30: {  	[sflag:s13] =	ssyncset.done $0x0  }
0x31: {  	[sflag:s13] =	ssyncadd.s32 $0xFFFFE000  }
0x32: {  	[hbm4b:s14+s2] =	stream.linear.scatter [tilespmem:s10], [sflag:$0x4], $0x2000, $0x38;
	[tilespmem:$0x4100] =	vst v63  }
.Ltmp1:
0x33: {  	_ =	swait.ge [sflag:s4], $0x2000;
	(pc) =	sbr.rel @p0 .LBB2_1-.Ltmp1, $4  }
0x34: {  	[sflag:s4] =	ssyncset.done $0x0  }
0x35: {  	[sflag:s4] =	ssyncadd.s32 $0xFFFFE000  }
0x36: {  	_ =	swait.ge [sflag:s15], $0x2000  }
0x37: {  	[sflag:s15] =	ssyncset.done $0x0  }
.LBB2_2:
0x38: {  	[sflag:s15] =	ssyncadd.s32 $0xFFFFE000  }
0x39: {  	_ =	sfence.sel $0x180000  }
0x3a: {  	[bflag:$0x0] =	sbarrier.arrive $0xFFFF  }
0x3b: {  	p0 =	sne.s32 s0, $0x0;
	_ =	strace $0x90000047  }
0x3c: {  	s0 =	sadd.s32 @!p0 $0x100000, s1;
	[bflag:$0x2] =	sbarrier.arrive $0xFFFF  }
0x3d: {  	[sflag:s0] =	ssyncadd.tile.s32 @!p0 $0x1;
	_ =	shalt  }
.Lfunc_end2:
_tile_overlayer_lowered:
.L_overlay_start_2:
0x3e: {  	(tag) =	ssettag $0x2  }
0x3f: {  	s0 =	rddreg [dreg:$0x0];
	s2 =	stileid.u32  }
0x40: {  	s1 =	rddreg [dreg:$0x1];
	p0 =	sne.s32 s2, $0x0  }
0x41: {  	s3 =	rddreg [dreg:$0x2];
	[bflag:$0x3] =	sbarrier.arrive $0xFFFF;
	s2 =	simm.s32 @!p0 $0x1C04  }
0x42: {  	[timem:s3], [sflag:s2] =	dma.local @!p0 [hbm:s0], s1  }
0x43: {  	s0 =	simm.s32 @!p0 $0x4  }
0x44: {  	_ =	swait.ge @!p0 [sflag:s0], s1  }
0x45: {  	s1 =	ssub.s32 @!p0 $0x0, s1;
	[sflag:s0] =	ssyncset.done @!p0 $0x0  }
0x46: {  	[sflag:s0] =	ssyncadd.s32 @!p0 s1  }
0x47: {  	[bflag:$0x3] =	sbarrier.arrive $0xFFFF  }
0x48: {  	_ =	shalt  }

</sc_bundles>
